<compile_context>
chip_gen: v7x
topology: tpu7x:2x2x1
jax: 0.10.2.dev20260603
libtpu: 0.0.44.dev20260713+nightly
codegen_flags: <defaults>
</compile_context>

<pallas_src>
import functools

import jax
import jax.numpy as jnp
from jax import lax
from jax.experimental import pallas as pl
from jax.experimental.pallas import tpu as pltpu
from jax.experimental.pallas import tpu_sc as plsc

_B, _T, _D, _H, _TO, _V = 16, 2048, 512, 512, 256, 1000
_THR = 0.95
_INTERPRET = False


def _enc_body(len_ref, x_ref, wenc_ref, enc_ref):
    b = pl.program_id(0)
    L = len_ref[b]
    x = x_ref[0]
    enc = jnp.tanh(jnp.dot(x, wenc_ref[...], preferred_element_type=jnp.float32))
    rowmask = (lax.broadcasted_iota(jnp.int32, (_T, 1), 0) < L).astype(jnp.float32)
    enc_ref[0] = enc * rowmask


def _sc_scan_body(aT_hbm, s_hbm, n_hbm, a_v, s_v, n_v):
    wid = lax.axis_index("s") * 2 + lax.axis_index("c")

    @pl.when(wid == 0)
    def _():
        pltpu.sync_copy(aT_hbm, a_v)

        ones_f = jnp.full((_B,), 1.0, jnp.float32)
        zeros_f = jnp.zeros((_B,), jnp.float32)
        ones_i = jnp.full((_B,), 1, jnp.int32)
        zeros_i = jnp.zeros((_B,), jnp.int32)
        thr_v = jnp.full((_B,), _THR, jnp.float32)

        def step(t, carry):
            s, n = carry
            a = a_v[pl.ds(t * _B, _B)]
            rec = s + a
            fire = rec > thr_v
            s2 = rec - jnp.where(fire, ones_f, zeros_f)
            n2 = n + jnp.where(fire, ones_i, zeros_i)
            s_v[pl.ds(t * _B, _B)] = s2
            n_v[pl.ds(t * _B, _B)] = n2
            return (s2, n2)

        lax.fori_loop(0, _T, step,
                      (jnp.zeros((_B,), jnp.float32), jnp.zeros((_B,), jnp.int32)))
        pltpu.sync_copy(s_v, s_hbm)
        pltpu.sync_copy(n_v, n_hbm)


_sc_scan = functools.partial(
    pl.kernel,
    out_type=[
        jax.ShapeDtypeStruct((_T * _B,), jnp.float32),
        jax.ShapeDtypeStruct((_T * _B,), jnp.int32),
    ],
    mesh=plsc.VectorSubcoreMesh(core_axis_name="c", subcore_axis_name="s"),
    scratch_types=[
        pltpu.VMEM((_T * _B,), jnp.float32),
        pltpu.VMEM((_T * _B,), jnp.float32),
        pltpu.VMEM((_T * _B,), jnp.int32),
    ],
)(_sc_scan_body)


def _out_body(alpha_ref, sprev_ref, n_ref, enc_ref, wout_ref, pred_ref):
    alpha = alpha_ref[0]
    s_prev = sprev_ref[0]
    n = n_ref[0]
    rec = s_prev + alpha
    fire = rec > _THR
    seg = n - fire.astype(jnp.int32)
    dc = 1.0 - s_prev
    cur = jnp.where(fire, dc, alpha)
    rem = alpha - cur
    nfin = jnp.max(n)

    j2 = lax.broadcasted_iota(jnp.int32, (_TO, _T), 0)
    segB = jnp.broadcast_to(seg, (_TO, _T))
    M = jnp.where(segB == j2, jnp.broadcast_to(cur, (_TO, _T)), 0.0)
    M = M + jnp.where(segB + 1 == j2, jnp.broadcast_to(rem, (_TO, _T)), 0.0)
    M = jnp.where(j2 < nfin, M, 0.0)

    l = lax.dot_general(M, enc_ref[0], (((1,), (0,)), ((), ())),
                        precision=lax.Precision.HIGHEST,
                        preferred_element_type=jnp.float32)
    pred_ref[0] = jnp.dot(l, wout_ref[...], preferred_element_type=jnp.float32)


def kernel(padded_input, input_lengths, padded_target, W_enc, w_assign, W_out):
    lengths = input_lengths.astype(jnp.int32)

    enc = pl.pallas_call(
        _enc_body,
        grid=(_B,),
        in_specs=[
            pl.BlockSpec(memory_space=pltpu.SMEM),
            pl.BlockSpec((1, _T, _D), lambda b: (b, 0, 0)),
            pl.BlockSpec((_D, _H), lambda b: (0, 0)),
        ],
        out_specs=pl.BlockSpec((1, _T, _H), lambda b: (b, 0, 0)),
        out_shape=jax.ShapeDtypeStruct((_B, _T, _H), jnp.float32),
        interpret=_INTERPRET,
    )(lengths, padded_input, W_enc)

    t_idx = jnp.arange(_T)
    len_mask = (t_idx[None, :] < input_lengths[:, None]).astype(jnp.float32)
    alpha = jax.nn.sigmoid(jnp.einsum('bth,h->bt', enc, w_assign)) * len_mask
    _num = alpha.sum(-1)
    num = (padded_target > 0).astype(jnp.float32).sum(-1)
    alpha = alpha * (num / _num)[:, None]

    alphaT = jnp.swapaxes(alpha, 0, 1).reshape(_T * _B)
    sT, nT = _sc_scan(alphaT)

    s = jnp.swapaxes(sT.reshape(_T, _B), 0, 1)
    n = jnp.swapaxes(nT.reshape(_T, _B), 0, 1)
    s_prev = jnp.concatenate(
        [jnp.zeros((_B, 1), jnp.float32), s[:, :-1]], axis=1)

    alpha3 = alpha.reshape(_B, 1, _T)
    sprev3 = s_prev.reshape(_B, 1, _T)
    n3 = n.reshape(_B, 1, _T)
    wout_pad = jnp.pad(W_out, ((0, 0), (0, 24)))

    pred_pad = pl.pallas_call(
        _out_body,
        grid=(_B,),
        in_specs=[
            pl.BlockSpec((1, 1, _T), lambda b: (b, 0, 0)),
            pl.BlockSpec((1, 1, _T), lambda b: (b, 0, 0)),
            pl.BlockSpec((1, 1, _T), lambda b: (b, 0, 0)),
            pl.BlockSpec((1, _T, _H), lambda b: (b, 0, 0)),
            pl.BlockSpec((_H, 1024), lambda b: (0, 0)),
        ],
        out_specs=pl.BlockSpec((1, _TO, 1024), lambda b: (b, 0, 0)),
        out_shape=jax.ShapeDtypeStruct((_B, _TO, 1024), jnp.float32),
        interpret=_INTERPRET,
    )(alpha3, sprev3, n3, enc, wout_pad)

    pred = pred_pad[:, :, :_V]
    return pred, padded_target

# --- scband reference (transcript-rebuilt; emitter-appended) ---
"""Pipeline reference for scband-cif-model-85521388798689 (READ-ONLY COPY).

The authoritative reference and input builder live on the scoring server;
editing this copy changes nothing except your own understanding.
"""

import jax, jax.numpy as jnp
import numpy as np

B, T, D, H, TO, V = 16, 2048, 512, 512, 256, 1000
THRESHOLD = 0.95


def setup_inputs(seed: int = 0) -> dict:
    key = jax.random.key(seed)
    k1, k2, k3, k4, k5, k6 = jax.random.split(key, 6)
    padded_input = jax.random.normal(k1, (B, T, D), dtype=jnp.float32)
    input_lengths = jnp.sort(jax.random.randint(k2, (B,), T // 2, T).astype(jnp.int64))
    padded_target = jax.random.randint(k3, (B, TO), 0, V).astype(jnp.int64)
    W_enc = jax.random.normal(k4, (D, H), dtype=jnp.float32) * (1.0 / np.sqrt(D))
    w_assign = jax.random.normal(k5, (H,), dtype=jnp.float32) * (1.0 / np.sqrt(H))
    W_out = jax.random.normal(k6, (H, V), dtype=jnp.float32) * (1.0 / np.sqrt(H))
    return {
        'padded_input': padded_input,
        'input_lengths': input_lengths,
        'padded_target': padded_target,
        'W_enc': W_enc,
        'w_assign': w_assign,
        'W_out': W_out,
    }


def cif(hidden, alphas, threshold, max_len):
    # hidden: [B, T, H], alphas: [B, T]
    Bb, Tt, Hh = hidden.shape

    def step(carry, inp):
        integrate, frame = carry
        alpha, h_t = inp  # alpha: [B], h_t: [B, H]
        distribution_completion = 1.0 - integrate
        integrate = integrate + alpha
        fire_record = integrate  # recorded before subtraction (matches torch loop)
        fire_place = integrate > threshold
        integrate = jnp.where(fire_place, integrate - 1.0, integrate)
        cur = jnp.where(fire_place, distribution_completion, alpha)
        remainds = alpha - cur
        frame_record = frame + cur[:, None] * h_t
        frame = jnp.where(fire_place[:, None], remainds[:, None] * h_t, frame_record)
        return (integrate, frame), (fire_record, frame_record)

    carry_dtype = jnp.result_type(hidden.dtype, alphas.dtype)
    init = (jnp.zeros((Bb,), alphas.dtype), jnp.zeros((Bb, Hh), carry_dtype))
    _, (fires, frames) = jax.lax.scan(
        step, init, (jnp.swapaxes(alphas, 0, 1), jnp.swapaxes(hidden, 0, 1)))
    fires = jnp.swapaxes(fires, 0, 1)      # [B, T]
    frames = jnp.swapaxes(frames, 0, 1)    # [B, T, H]

    # Ragged gather of fired frames -> dense padded [B, max_len, H]
    mask = fires > threshold
    pos = jnp.cumsum(mask.astype(jnp.int32), axis=1) - 1
    pos = jnp.where(mask, pos, max_len)            # non-fires go to overflow slot
    pos = jnp.clip(pos, 0, max_len)
    vals = jnp.where(mask[:, :, None], frames, 0.0)
    out = jnp.zeros((Bb, max_len + 1, Hh), jnp.float32)
    out = out.at[jnp.arange(Bb)[:, None], pos].add(vals)
    return out[:, :max_len, :]


def reference(padded_input, input_lengths, padded_target, W_enc, w_assign, W_out):
    # minimal encoder: per-frame projection + tanh, masked by valid lengths
    t_idx = jnp.arange(padded_input.shape[1])
    len_mask = (t_idx[None, :] < input_lengths[:, None]).astype(jnp.float32)
    enc = jnp.tanh(jnp.einsum('btd,dh->bth', padded_input, W_enc)) * len_mask[:, :, None]
    # assigner: per-frame scalar weight in (0,1)
    alpha = jax.nn.sigmoid(jnp.einsum('bth,h->bt', enc, w_assign)) * len_mask
    _num = alpha.sum(-1)
    num = (padded_target > 0).astype(jnp.float32).sum(-1)
    alpha = alpha * (num / _num)[:, None]
    l = cif(enc, alpha, THRESHOLD, TO)
    # minimal decoder: project fired frames to vocab logits
    pred = jnp.einsum('blh,hv->blv', l, W_out)
    gold = padded_target
    return pred, gold

if __name__ == "__main__":
    import jax
    _d = setup_inputs()
    print(jax.jit(kernel)(*tuple(_d.values())))

</pallas_src>

<mosaic_0001>
#map = affine_map<(d0, d1) -> (0)>
module attributes {stable_mosaic.version = 14 : i64} {
  func.func @_sc_scan_body(%arg0: i32, %arg1: i32, %arg2: memref<32768xf32, #tpu.memory_space<hbm>>, %arg3: memref<32768xf32, #tpu.memory_space<hbm>>, %arg4: memref<32768xi32, #tpu.memory_space<hbm>>, %arg5: memref<32768xf32, #tpu.memory_space<vmem>>, %arg6: memref<32768xf32, #tpu.memory_space<vmem>>, %arg7: memref<32768xi32, #tpu.memory_space<vmem>>) attributes {dimension_semantics = [#tpu.dimension_semantics<core_parallel>, #tpu.dimension_semantics<subcore_parallel>], iteration_bounds = array<i64: 2, 16>, scalar_prefetch = 0 : i64, scratch_operands = 3 : i64, tpu.core_type = #tpu.core_type<sc_vector_subcore>, window_params = [{transform_indices = #map}, {transform_indices = #map}, {transform_indices = #map}]} {
    %mul3A = arith.constant 2 : i32
    %mul3A_0 = arith.muli %arg1, %mul3A : i32
    %add3A = arith.addi %mul3A_0, %arg0 : i32
    %eq3A = arith.constant 0 : i32
    %eq3A_1 = arith.cmpi eq, %add3A, %eq3A : i32
    %convert_element_type3A = arith.extui %eq3A_1 : i1 to i32
    %cond3A = arith.constant 0 : i32
    %cond3A_2 = arith.cmpi ne, %convert_element_type3A, %cond3A : i32
    scf.if %cond3A_2 {
      "tpu.region"() ({
        %run_scoped3A = tpu.sem_alloc : memref<!tpu.dma_semaphore, #tpu.memory_space<semaphore_mem>>
        tpu.enqueue_dma source(%arg2 : memref<32768xf32, #tpu.memory_space<hbm>>) target(%arg5 : memref<32768xf32, #tpu.memory_space<vmem>>) target_semaphore(%run_scoped3A : memref<!tpu.dma_semaphore, #tpu.memory_space<semaphore_mem>>)
        tpu.wait_dma2 semaphore(%run_scoped3A : memref<!tpu.dma_semaphore, #tpu.memory_space<semaphore_mem>>) src(%arg2 : memref<32768xf32, #tpu.memory_space<hbm>>) dst(%arg5 : memref<32768xf32, #tpu.memory_space<vmem>>)
        tpu.yield
      }) : () -> ()
      %broadcast_in_dim3A = arith.constant 1.000000e+00 : f32
      %broadcast_in_dim3A_3 = vector.broadcast %broadcast_in_dim3A : f32 to vector<16xf32>
      %broadcast_in_dim3A_4 = arith.constant 0.000000e+00 : f32
      %broadcast_in_dim3A_5 = vector.broadcast %broadcast_in_dim3A_4 : f32 to vector<16xf32>
      %broadcast_in_dim3A_6 = arith.constant 1 : i32
      %broadcast_in_dim3A_7 = vector.broadcast %broadcast_in_dim3A_6 : i32 to vector<16xi32>
      %broadcast_in_dim3A_8 = arith.constant 0 : i32
      %broadcast_in_dim3A_9 = vector.broadcast %broadcast_in_dim3A_8 : i32 to vector<16xi32>
      %broadcast_in_dim3A_10 = arith.constant 0.949999988 : f32
      %broadcast_in_dim3A_11 = vector.broadcast %broadcast_in_dim3A_10 : f32 to vector<16xf32>
      %broadcast_in_dim3A_12 = arith.constant 0.000000e+00 : f32
      %broadcast_in_dim3A_13 = vector.broadcast %broadcast_in_dim3A_12 : f32 to vector<16xf32>
      %broadcast_in_dim3A_14 = arith.constant 0 : i32
      %broadcast_in_dim3A_15 = vector.broadcast %broadcast_in_dim3A_14 : i32 to vector<16xi32>
      %scan3A = arith.constant 0 : i32
      %scan3A_16 = arith.constant 2048 : i32
      %scan3A_17 = arith.addi %scan3A, %scan3A_16 : i32
      %scan3A_18 = arith.constant 1 : i32
      %scan3A_19:2 = scf.for %scan3A_21 = %scan3A to %scan3A_17 step %scan3A_18 iter_args(%scan3A_22 = %broadcast_in_dim3A_13, %scan3A_23 = %broadcast_in_dim3A_15) -> (vector<16xf32>, vector<16xi32>)  : i32 {
        %mul3A_24 = arith.constant 16 : i32
        %mul3A_25 = arith.muli %scan3A_21, %mul3A_24 : i32
        %get3A = arith.index_cast %mul3A_25 : i32 to index
        %get3A_26 = tpu.vector_load %arg5[%get3A] {strides = array<i32>} : memref<32768xf32, #tpu.memory_space<vmem>>, vector<16xf32>,
        %get3A_27 = vector.shape_cast %get3A_26 : vector<16xf32> to vector<16xf32>
        %add3A_28 = arith.addf %scan3A_22, %get3A_27 : vector<16xf32>
        %gt3A = arith.cmpf ogt, %add3A_28, %broadcast_in_dim3A_11 : vector<16xf32>
        %select_n3A = arith.select %gt3A, %broadcast_in_dim3A_3, %broadcast_in_dim3A_5 : vector<16xi1>, vector<16xf32>
        %sub3A = arith.subf %add3A_28, %select_n3A : vector<16xf32>
        %select_n3A_29 = arith.select %gt3A, %broadcast_in_dim3A_7, %broadcast_in_dim3A_9 : vector<16xi1>, vector<16xi32>
        %add3A_30 = arith.addi %scan3A_23, %select_n3A_29 : vector<16xi32>
        %mul3A_31 = arith.constant 16 : i32
        %mul3A_32 = arith.muli %scan3A_21, %mul3A_31 : i32
        %swap3A = arith.index_cast %mul3A_32 : i32 to index
        %swap3A_33 = tpu.vector_load %arg6[%swap3A] {strides = array<i32>} : memref<32768xf32, #tpu.memory_space<vmem>>, vector<16xf32>,
        %swap3A_34 = vector.shape_cast %swap3A_33 : vector<16xf32> to vector<16xf32>
        %swap3A_35 = vector.shape_cast %sub3A : vector<16xf32> to vector<16xf32>
        tpu.vector_store %arg6[%swap3A], %swap3A_35 {strides = array<i32>} : memref<32768xf32, #tpu.memory_space<vmem>>, vector<16xf32>,
        %mul3A_36 = arith.constant 16 : i32
        %mul3A_37 = arith.muli %scan3A_21, %mul3A_36 : i32
        %swap3A_38 = arith.index_cast %mul3A_37 : i32 to index
        %swap3A_39 = tpu.vector_load %arg7[%swap3A_38] {strides = array<i32>} : memref<32768xi32, #tpu.memory_space<vmem>>, vector<16xi32>,
        %swap3A_40 = vector.shape_cast %swap3A_39 : vector<16xi32> to vector<16xi32>
        %swap3A_41 = vector.shape_cast %add3A_30 : vector<16xi32> to vector<16xi32>
        tpu.vector_store %arg7[%swap3A_38], %swap3A_41 {strides = array<i32>} : memref<32768xi32, #tpu.memory_space<vmem>>, vector<16xi32>,
        scf.yield %sub3A, %add3A_30 : vector<16xf32>, vector<16xi32>
      }
      %scan3A_20 = arith.constant 2048 : i32
      "tpu.region"() ({
        %run_scoped3A = tpu.sem_alloc : memref<!tpu.dma_semaphore, #tpu.memory_space<semaphore_mem>>
        tpu.enqueue_dma source(%arg6 : memref<32768xf32, #tpu.memory_space<vmem>>) target(%arg3 : memref<32768xf32, #tpu.memory_space<hbm>>) target_semaphore(%run_scoped3A : memref<!tpu.dma_semaphore, #tpu.memory_space<semaphore_mem>>)
        tpu.wait_dma2 semaphore(%run_scoped3A : memref<!tpu.dma_semaphore, #tpu.memory_space<semaphore_mem>>) src(%arg6 : memref<32768xf32, #tpu.memory_space<vmem>>) dst(%arg3 : memref<32768xf32, #tpu.memory_space<hbm>>)
        tpu.yield
      }) : () -> ()
      "tpu.region"() ({
        %run_scoped3A = tpu.sem_alloc : memref<!tpu.dma_semaphore, #tpu.memory_space<semaphore_mem>>
        tpu.enqueue_dma source(%arg7 : memref<32768xi32, #tpu.memory_space<vmem>>) target(%arg4 : memref<32768xi32, #tpu.memory_space<hbm>>) target_semaphore(%run_scoped3A : memref<!tpu.dma_semaphore, #tpu.memory_space<semaphore_mem>>)
        tpu.wait_dma2 semaphore(%run_scoped3A : memref<!tpu.dma_semaphore, #tpu.memory_space<semaphore_mem>>) src(%arg7 : memref<32768xi32, #tpu.memory_space<vmem>>) dst(%arg4 : memref<32768xi32, #tpu.memory_space<hbm>>)
        tpu.yield
      }) : () -> ()
    } else {
    }
    return
  }
}

module attributes {stable_mosaic.version = 14 : i64} {
  func.func @_enc_body(%arg0: i32, %arg1: memref<16xi32, #tpu.memory_space<smem>>, %arg2: memref<1x2048x512xf32, #tpu.memory_space<vmem>>, %arg3: memref<512x512xf32, #tpu.memory_space<vmem>>, %arg4: memref<1x2048x512xf32, #tpu.memory_space<vmem>>) attributes {dimension_semantics = [#tpu.dimension_semantics<arbitrary>], iteration_bounds = array<i64: 16>, scalar_prefetch = 0 : i64, scratch_operands = 0 : i64, tpu.core_type = #tpu.core_type<tc>, window_params = [{transform_indices = @transform_0, window_bounds = array<i64: 16>}, {transform_indices = @transform_1, window_bounds = array<i64: 1, 2048, 512>}, {pipeline_mode = #tpu.pipeline_mode<synchronous>, transform_indices = @transform_2, window_bounds = array<i64: 512, 512>}, {transform_indices = @transform_3, window_bounds = array<i64: 1, 2048, 512>}]} {
    %get3A = arith.index_cast %arg0 : i32 to index
    %get3A_0 = memref.load %arg1[%get3A] : memref<16xi32, #tpu.memory_space<smem>>
    %get3A_1 = arith.constant 0 : index
    %get3A_2 = arith.constant 0 : index
    %get3A_3 = arith.constant 0 : index
    %get3A_4 = vector.load %arg2[%get3A_1, %get3A_2, %get3A_3] : memref<1x2048x512xf32, #tpu.memory_space<vmem>>, vector<1x2048x512xf32>
    %get3A_5 = vector.shape_cast %get3A_4 : vector<1x2048x512xf32> to vector<2048x512xf32>
    %get3A_6 = arith.constant 0 : index
    %get3A_7 = arith.constant 0 : index
    %get3A_8 = vector.load %arg3[%get3A_6, %get3A_7] : memref<512x512xf32, #tpu.memory_space<vmem>>, vector<512x512xf32>
    %dot_general3A = arith.constant dense<0.000000e+00> : vector<2048x512xf32>
    %dot_general3A_9 = tpu.matmul %get3A_5, %get3A_8, %dot_general3A {dimension_numbers = #tpu.dot_dimension_numbers<[1], [0], [0], [1], [0, 0, 1, 1], [], []>, transpose_lhs_hint = false} : vector<2048x512xf32>, vector<512x512xf32>, vector<2048x512xf32> -> vector<2048x512xf32>
    %tanh3A = math.tanh %dot_general3A_9 : vector<2048x512xf32>
    %iota3A = tpu.iota {dimensions = array<i32: 0>} : vector<2048x1xi32>
    %lt3A = vector.broadcast %get3A_0 : i32 to vector<2048x1xi32>
    %lt3A_10 = arith.cmpi slt, %iota3A, %lt3A : vector<2048x1xi32>
    %convert_element_type3A = arith.extui %lt3A_10 : vector<2048x1xi1> to vector<2048x1xi32>
    %convert_element_type3A_11 = arith.sitofp %convert_element_type3A : vector<2048x1xi32> to vector<2048x1xf32>
    %mul3A = vector.broadcast %convert_element_type3A_11 : vector<2048x1xf32> to vector<2048x512xf32>
    %mul3A_12 = arith.mulf %tanh3A, %mul3A : vector<2048x512xf32>
    %swap3A = arith.constant 0 : index
    %swap3A_13 = arith.constant 0 : index
    %swap3A_14 = arith.constant 0 : index
    %swap3A_15 = vector.load %arg4[%swap3A, %swap3A_13, %swap3A_14] : memref<1x2048x512xf32, #tpu.memory_space<vmem>>, vector<1x2048x512xf32>
    %swap3A_16 = vector.shape_cast %swap3A_15 : vector<1x2048x512xf32> to vector<2048x512xf32>
    %swap3A_17 = vector.shape_cast %mul3A_12 : vector<2048x512xf32> to vector<1x2048x512xf32>
    tpu.vector_store %arg4[%swap3A, %swap3A_13, %swap3A_14], %swap3A_17 {strides = array<i32>} : memref<1x2048x512xf32, #tpu.memory_space<vmem>>, vector<1x2048x512xf32>,
    return
  }
  func.func @transform_0(%arg0: i32) -> i32 {
    %c0_i32 = arith.constant 0 : i32
    %c0_i32_0 = arith.constant 0 : i32
    return %c0_i32 : i32
  }
  func.func @transform_1(%arg0: i32) -> (i32, i32, i32) {
    %c0_i32 = arith.constant 0 : i32
    %c0_i32_0 = arith.constant 0 : i32
    %c0_i32_1 = arith.constant 0 : i32
    return %arg0, %c0_i32, %c0_i32_0 : i32, i32, i32
  }
  func.func @transform_2(%arg0: i32) -> (i32, i32) {
    %c0_i32 = arith.constant 0 : i32
    %c0_i32_0 = arith.constant 0 : i32
    %c0_i32_1 = arith.constant 0 : i32
    return %c0_i32, %c0_i32_0 : i32, i32
  }
  func.func @transform_3(%arg0: i32) -> (i32, i32, i32) {
    %c0_i32 = arith.constant 0 : i32
    %c0_i32_0 = arith.constant 0 : i32
    %c0_i32_1 = arith.constant 0 : i32
    return %arg0, %c0_i32, %c0_i32_0 : i32, i32, i32
  }
}

module attributes {stable_mosaic.version = 14 : i64} {
  func.func @_out_body(%arg0: i32, %arg1: memref<1x1x2048xf32, #tpu.memory_space<vmem>>, %arg2: memref<1x1x2048xf32, #tpu.memory_space<vmem>>, %arg3: memref<1x1x2048xi32, #tpu.memory_space<vmem>>, %arg4: memref<1x2048x512xf32, #tpu.memory_space<vmem>>, %arg5: memref<512x1024xf32, #tpu.memory_space<vmem>>, %arg6: memref<1x256x1024xf32, #tpu.memory_space<vmem>>) attributes {dimension_semantics = [#tpu.dimension_semantics<arbitrary>], iteration_bounds = array<i64: 16>, scalar_prefetch = 0 : i64, scratch_operands = 0 : i64, tpu.core_type = #tpu.core_type<tc>, window_params = [{transform_indices = @transform_0, window_bounds = array<i64: 1, 1, 2048>}, {transform_indices = @transform_1, window_bounds = array<i64: 1, 1, 2048>}, {transform_indices = @transform_2, window_bounds = array<i64: 1, 1, 2048>}, {transform_indices = @transform_3, window_bounds = array<i64: 1, 2048, 512>}, {pipeline_mode = #tpu.pipeline_mode<synchronous>, transform_indices = @transform_4, window_bounds = array<i64: 512, 1024>}, {transform_indices = @transform_5, window_bounds = array<i64: 1, 256, 1024>}]} {
    %get3A = arith.constant 0 : index
    %get3A_0 = arith.constant 0 : index
    %get3A_1 = arith.constant 0 : index
    %get3A_2 = vector.load %arg1[%get3A, %get3A_0, %get3A_1] : memref<1x1x2048xf32, #tpu.memory_space<vmem>>, vector<1x1x2048xf32>
    %get3A_3 = vector.shape_cast %get3A_2 : vector<1x1x2048xf32> to vector<1x2048xf32>
    %get3A_4 = arith.constant 0 : index
    %get3A_5 = arith.constant 0 : index
    %get3A_6 = arith.constant 0 : index
    %get3A_7 = vector.load %arg2[%get3A_4, %get3A_5, %get3A_6] : memref<1x1x2048xf32, #tpu.memory_space<vmem>>, vector<1x1x2048xf32>
    %get3A_8 = vector.shape_cast %get3A_7 : vector<1x1x2048xf32> to vector<1x2048xf32>
    %get3A_9 = arith.constant 0 : index
    %get3A_10 = arith.constant 0 : index
    %get3A_11 = arith.constant 0 : index
    %get3A_12 = vector.load %arg3[%get3A_9, %get3A_10, %get3A_11] : memref<1x1x2048xi32, #tpu.memory_space<vmem>>, vector<1x1x2048xi32>
    %get3A_13 = vector.shape_cast %get3A_12 : vector<1x1x2048xi32> to vector<1x2048xi32>
    %add3A = arith.addf %get3A_8, %get3A_3 : vector<1x2048xf32>
    %gt3A = arith.constant 0.949999988 : f32
    %gt3A_14 = vector.broadcast %gt3A : f32 to vector<1x2048xf32>
    %gt3A_15 = arith.cmpf ogt, %add3A, %gt3A_14 : vector<1x2048xf32>
    %convert_element_type3A = arith.extui %gt3A_15 : vector<1x2048xi1> to vector<1x2048xi32>
    %sub3A = arith.subi %get3A_13, %convert_element_type3A : vector<1x2048xi32>
    %sub3A_16 = arith.constant 1.000000e+00 : f32
    %sub3A_17 = vector.broadcast %sub3A_16 : f32 to vector<1x2048xf32>
    %sub3A_18 = arith.subf %sub3A_17, %get3A_8 : vector<1x2048xf32>
    %select_n3A = arith.select %gt3A_15, %sub3A_18, %get3A_3 : vector<1x2048xi1>, vector<1x2048xf32>
    %sub3A_19 = arith.subf %get3A_3, %select_n3A : vector<1x2048xf32>
    %reduce_max3A = vector.shape_cast %get3A_13 : vector<1x2048xi32> to vector<1x1x2048xi32>
    %reduce_max3A_20 = arith.constant dense<-2147483648> : vector<1xi32>
    %reduce_max3A_21 = vector.multi_reduction <maxsi>, %reduce_max3A, %reduce_max3A_20 [1, 2] : vector<1x1x2048xi32> to vector<1xi32>
    %reduce_max3A_22 = vector.shape_cast %reduce_max3A_21 : vector<1xi32> to vector<1x1x1xi32>
    %reduce_max3A_23 = vector.extract %reduce_max3A_22[0, 0, 0] : i32 from vector<1x1x1xi32>
    %iota3A = tpu.iota {dimensions = array<i32: 0>} : vector<256x2048xi32>
    %broadcast_in_dim3A = vector.shape_cast %sub3A : vector<1x2048xi32> to vector<1x2048xi32>
    %broadcast_in_dim3A_24 = vector.broadcast %broadcast_in_dim3A : vector<1x2048xi32> to vector<256x2048xi32>
    %eq3A = arith.cmpi eq, %broadcast_in_dim3A_24, %iota3A : vector<256x2048xi32>
    %broadcast_in_dim3A_25 = vector.shape_cast %select_n3A : vector<1x2048xf32> to vector<1x2048xf32>
    %broadcast_in_dim3A_26 = vector.broadcast %broadcast_in_dim3A_25 : vector<1x2048xf32> to vector<256x2048xf32>
    %jit3A = arith.constant 0.000000e+00 : f32
    %broadcast_in_dim3A_27 = vector.broadcast %jit3A : f32 to vector<256x2048xf32>
    %select_n3A_28 = arith.select %eq3A, %broadcast_in_dim3A_26, %broadcast_in_dim3A_27 : vector<256x2048xi1>, vector<256x2048xf32>
    %add3A_29 = arith.constant 1 : i32
    %add3A_30 = vector.broadcast %add3A_29 : i32 to vector<256x2048xi32>
    %add3A_31 = arith.addi %broadcast_in_dim3A_24, %add3A_30 : vector<256x2048xi32>
    %eq3A_32 = arith.cmpi eq, %add3A_31, %iota3A : vector<256x2048xi32>
    %broadcast_in_dim3A_33 = vector.shape_cast %sub3A_19 : vector<1x2048xf32> to vector<1x2048xf32>
    %broadcast_in_dim3A_34 = vector.broadcast %broadcast_in_dim3A_33 : vector<1x2048xf32> to vector<256x2048xf32>
    %jit3A_35 = arith.constant 0.000000e+00 : f32
    %broadcast_in_dim3A_36 = vector.broadcast %jit3A_35 : f32 to vector<256x2048xf32>
    %select_n3A_37 = arith.select %eq3A_32, %broadcast_in_dim3A_34, %broadcast_in_dim3A_36 : vector<256x2048xi1>, vector<256x2048xf32>
    %add3A_38 = arith.addf %select_n3A_28, %select_n3A_37 : vector<256x2048xf32>
    %lt3A = vector.broadcast %reduce_max3A_23 : i32 to vector<256x2048xi32>
    %lt3A_39 = arith.cmpi slt, %iota3A, %lt3A : vector<256x2048xi32>
    %jit3A_40 = arith.constant 0.000000e+00 : f32
    %broadcast_in_dim3A_41 = vector.broadcast %jit3A_40 : f32 to vector<256x2048xf32>
    %select_n3A_42 = arith.select %lt3A_39, %add3A_38, %broadcast_in_dim3A_41 : vector<256x2048xi1>, vector<256x2048xf32>
    %get3A_43 = arith.constant 0 : index
    %get3A_44 = arith.constant 0 : index
    %get3A_45 = arith.constant 0 : index
    %get3A_46 = vector.load %arg4[%get3A_43, %get3A_44, %get3A_45] : memref<1x2048x512xf32, #tpu.memory_space<vmem>>, vector<1x2048x512xf32>
    %get3A_47 = vector.shape_cast %get3A_46 : vector<1x2048x512xf32> to vector<2048x512xf32>
    %dot_general3A = arith.constant dense<0.000000e+00> : vector<256x512xf32>
    %dot_general3A_48 = tpu.matmul %select_n3A_42, %get3A_47, %dot_general3A {dimension_numbers = #tpu.dot_dimension_numbers<[1], [0], [0], [1], [0, 0, 1, 1], [], []>, precision = #tpu.contract_precision<fp32>, transpose_lhs_hint = false} : vector<256x2048xf32>, vector<2048x512xf32>, vector<256x512xf32> -> vector<256x512xf32>
    %get3A_49 = arith.constant 0 : index
    %get3A_50 = arith.constant 0 : index
    %get3A_51 = vector.load %arg5[%get3A_49, %get3A_50] : memref<512x1024xf32, #tpu.memory_space<vmem>>, vector<512x1024xf32>
    %dot_general3A_52 = arith.constant dense<0.000000e+00> : vector<256x1024xf32>
    %dot_general3A_53 = tpu.matmul %dot_general3A_48, %get3A_51, %dot_general3A_52 {dimension_numbers = #tpu.dot_dimension_numbers<[1], [0], [0], [1], [0, 0, 1, 1], [], []>, transpose_lhs_hint = false} : vector<256x512xf32>, vector<512x1024xf32>, vector<256x1024xf32> -> vector<256x1024xf32>
    %swap3A = arith.constant 0 : index
    %swap3A_54 = arith.constant 0 : index
    %swap3A_55 = arith.constant 0 : index
    %swap3A_56 = vector.load %arg6[%swap3A, %swap3A_54, %swap3A_55] : memref<1x256x1024xf32, #tpu.memory_space<vmem>>, vector<1x256x1024xf32>
    %swap3A_57 = vector.shape_cast %swap3A_56 : vector<1x256x1024xf32> to vector<256x1024xf32>
    %swap3A_58 = vector.shape_cast %dot_general3A_53 : vector<256x1024xf32> to vector<1x256x1024xf32>
    tpu.vector_store %arg6[%swap3A, %swap3A_54, %swap3A_55], %swap3A_58 {strides = array<i32>} : memref<1x256x1024xf32, #tpu.memory_space<vmem>>, vector<1x256x1024xf32>,
    return
  }
  func.func @transform_0(%arg0: i32) -> (i32, i32, i32) {
    %c0_i32 = arith.constant 0 : i32
    %c0_i32_0 = arith.constant 0 : i32
    %c0_i32_1 = arith.constant 0 : i32
    return %arg0, %c0_i32, %c0_i32_0 : i32, i32, i32
  }
  func.func @transform_1(%arg0: i32) -> (i32, i32, i32) {
    %c0_i32 = arith.constant 0 : i32
    %c0_i32_0 = arith.constant 0 : i32
    %c0_i32_1 = arith.constant 0 : i32
    return %arg0, %c0_i32, %c0_i32_0 : i32, i32, i32
  }
  func.func @transform_2(%arg0: i32) -> (i32, i32, i32) {
    %c0_i32 = arith.constant 0 : i32
    %c0_i32_0 = arith.constant 0 : i32
    %c0_i32_1 = arith.constant 0 : i32
    return %arg0, %c0_i32, %c0_i32_0 : i32, i32, i32
  }
  func.func @transform_3(%arg0: i32) -> (i32, i32, i32) {
    %c0_i32 = arith.constant 0 : i32
    %c0_i32_0 = arith.constant 0 : i32
    %c0_i32_1 = arith.constant 0 : i32
    return %arg0, %c0_i32, %c0_i32_0 : i32, i32, i32
  }
  func.func @transform_4(%arg0: i32) -> (i32, i32) {
    %c0_i32 = arith.constant 0 : i32
    %c0_i32_0 = arith.constant 0 : i32
    %c0_i32_1 = arith.constant 0 : i32
    return %c0_i32, %c0_i32_0 : i32, i32
  }
  func.func @transform_5(%arg0: i32) -> (i32, i32, i32) {
    %c0_i32 = arith.constant 0 : i32
    %c0_i32_0 = arith.constant 0 : i32
    %c0_i32_1 = arith.constant 0 : i32
    return %arg0, %c0_i32, %c0_i32_0 : i32, i32, i32
  }
}

</mosaic_0001>

<sc_bundles>
// kernel: kernel.5.cloned.1.call-start
scs
__scs_entry_jumppad:
0x0: {  	(pc) =	sbr.rel $0x88, $3  }
0x1: {  	(tag) =	ssettag $0x0;
	lr =	simm.s32 $0x1  }
0x2: {  	[smem:$0x3F9B] =	sst lr;
	_ =	strace $0xD0000000  }
0x3: {  	_ = 	snop  }
0x4: {  	_ = 	snop  }
0x5: {  	_ = 	snop  }
0x6: {  	_ = 	snop  }
0x7: {  	_ = 	snop  }
__scs_overlays_trampoline_lowered:
0x8: {  	[smem:$0x3FAA] =	sst s0  }
0x9: {  	[smem:$0x3FAB] =	sst s1  }
0xa: {  	[smem:$0x3FAC] =	sst s2  }
0xb: {  	[smem:$0x3FAD] =	sst s3  }
0xc: {  	[smem:$0x3FAE] =	sst s4  }
0xd: {  	[smem:$0x3FAF] =	sst s5  }
0xe: {  	[smem:$0x3FB0] =	sst s6  }
0xf: {  	[smem:$0x3FB1] =	sst s7  }
0x10: {  	[smem:$0x3FB2] =	sst s8  }
0x11: {  	[smem:$0x3FB3] =	sst s9;
	s0 =	simm.s32 @!p0 $0x0  }
0x12: {  	s1 =	sld [smem:$0x3F99];
	s0 =	simm.s32 @p0 $0x1  }
0x13: {  	[smem:$0x3FB4] =	sst s0;
	s0 =	simm.s32 @!p1 $0x0  }
0x14: {  	s2 =	sld [smem:$0x3F98];
	s0 =	simm.s32 @p1 $0x1  }
0x15: {  	[smem:$0x3FB5] =	sst s0;
	s0 =	simm.s32 @!p2 $0x0  }
0x16: {  	s3 =	sld [smem:$0x3FDB];
	s0 =	simm.s32 @p2 $0x1  }
0x17: {  	s4 =	simm.s32 $0x1BF5;
	[smem:$0x3FB7] =	sst s0  }
0x18: {  	s0 =	sld [smem:$0x3F9A];
	_ =	swait.ge [sflag:s4], $0x0  }
0x19: {  	s7 =	sld [smem:$0x3F9B]  }
0x1a: {  	s8 =	sadd.s32 $0xFFFFE003, lr  }
0x1b: {  	s9 =	sadd.s32 $0xFFFFFEF7, lr;
	s5 =	simm.s32 $0xFFFFFFFF;
	p2 =	slt.u32 s8, $0xFFFFF086  }
0x1c: {  	p1 =	slt.u32 s9, $0xF7A;
	s5 =	simm.s32 @!p2 $0x0  }
0x1d: {  	s5 =	simm.s32 @p1 $0x1;
	p0 =	seq.s32 s7, s2  }
0x1e: {  	s7 =	smul.u32 @!p0 $0xF7A, s2;
	p2 =	seq.s32 @!p0 s5, $0x0  }
0x1f: {  	s9 =	smul.u32 $0xF7A, s1;
	s8 =	simm.s32 @!p0 $0x1BF5;
	p2 =	por !p2, p0  }
0x20: {  	[sflag:s8] =	ssyncset.s32 @!p0 $0xFFFFF086;
	s6 =	sadd.s32 @!p0 s3, s7;
	s7 =	simm.s32 @!p0 $0x108  }
0x21: {  	s3 =	sadd.s32 s3, s9;
	s6 =	sadd.s32 @!p0 $0x88, s6;
	s7 =	simm.s32 @p2 $0x1082  }
0x22: {  	[simem:s7], [sflag:s8] =	dma.local @!p0 [hbm:s6], $0xF7A  }
0x23: {  	s9 =	sor.u32 $0xD0000000, s2;
	s6 =	simm.s32 $0x108;
	_ =	swait.ge @!p0 [sflag:s8], $0x0  }
0x24: {  	s3 =	sadd.s32 $0x88, s3;
	s6 =	simm.s32 @!p1 $0x1082;
	[sflag:s4] =	ssyncset.s32 $0xFFFFF086  }
0x25: {  	[simem:s6], [sflag:s4] =	dma.local [hbm:s3], $0xF7A  }
0x26: {  	[smem:$0x3F9B] =	sst s1;
	(tag) =	ssettag s2;
	_ =	strace s9  }
0x27: {  	s1 =	sld [smem:$0x3FAB]  }
0x28: {  	s2 =	sld [smem:$0x3FAC]  }
0x29: {  	s4 =	sld [smem:$0x3FAE]  }
0x2a: {  	p0 =	seq.s32 s5, $0x0;
	s5 =	sld [smem:$0x3FAF]  }
0x2b: {  	s6 =	sld [smem:$0x3FB0]  }
0x2c: {  	s7 =	sld [smem:$0x3FB1]  }
0x2d: {  	s3 =	simm.s32 $0x108;
	s8 =	sld [smem:$0x3FB2]  }
0x2e: {  	s3 =	simm.s32 @!p0 $0x1082;
	s9 =	sld [smem:$0x3FB3]  }
0x2f: {  	lr =	sadd.s32 s0, s3;
	s0 =	sld [smem:$0x3FAA]  }
0x30: {  	s3 =	sld [smem:$0x3FAD]  }
0x31: {  	[smem:$0x3FB6] =	sst s10  }
0x32: {  	s10 =	sld [smem:$0x3FB4];
	_ =	sdelay $0x3  }
0x33: {  	p0 =	seq.s32 s10, $0x1;
	s10 =	sld [smem:$0x3FB6];
	_ =	sdelay $0x3  }
0x34: {  	[smem:$0x3FB6] =	sst s10  }
0x35: {  	s10 =	sld [smem:$0x3FB5];
	_ =	sdelay $0x3  }
0x36: {  	p1 =	seq.s32 s10, $0x1;
	s10 =	sld [smem:$0x3FB6];
	_ =	sdelay $0x3  }
0x37: {  	[smem:$0x3FB6] =	sst s10  }
0x38: {  	s10 =	sld [smem:$0x3FB7]  }
0x39: {  	_ = 	snop;
	(pc) =	sbr.ind lr, $3  }
0x3a: {  	_ = 	snop  }
0x3b: {  	_ = 	snop  }
0x3c: {  	p2 =	seq.s32 s10, $0x1;
	s10 =	sld [smem:$0x3FB6]  }
0x3d: {  	_ =	shalt  }
0x3e: {  	_ =	shalt  }
0x3f: {  	_ =	shalt  }
0x40: {  	_ =	shalt  }
0x41: {  	_ =	shalt  }
0x42: {  	_ =	shalt  }
0x43: {  	_ =	shalt  }
0x44: {  	_ =	shalt  }
0x45: {  	_ =	shalt  }
0x46: {  	_ =	shalt  }
0x47: {  	_ =	shalt  }
0x48: {  	_ =	shalt  }
0x49: {  	_ =	shalt  }
0x4a: {  	_ =	shalt  }
0x4b: {  	_ =	shalt  }
0x4c: {  	_ =	shalt  }
0x4d: {  	_ =	shalt  }
0x4e: {  	_ =	shalt  }
0x4f: {  	_ =	shalt  }
0x50: {  	_ =	shalt  }
0x51: {  	_ =	shalt  }
0x52: {  	_ =	shalt  }
0x53: {  	_ =	shalt  }
0x54: {  	_ =	shalt  }
0x55: {  	_ =	shalt  }
0x56: {  	_ =	shalt  }
0x57: {  	_ =	shalt  }
0x58: {  	_ =	shalt  }
0x59: {  	_ =	shalt  }
0x5a: {  	_ =	shalt  }
0x5b: {  	_ =	shalt  }
0x5c: {  	_ =	shalt  }
0x5d: {  	_ =	shalt  }
0x5e: {  	_ =	shalt  }
0x5f: {  	_ =	shalt  }
0x60: {  	_ =	shalt  }
0x61: {  	_ =	shalt  }
0x62: {  	_ =	shalt  }
0x63: {  	_ =	shalt  }
0x64: {  	_ =	shalt  }
0x65: {  	_ =	shalt  }
0x66: {  	_ =	shalt  }
0x67: {  	_ =	shalt  }
0x68: {  	_ =	shalt  }
0x69: {  	_ =	shalt  }
0x6a: {  	_ =	shalt  }
0x6b: {  	_ =	shalt  }
0x6c: {  	_ =	shalt  }
0x6d: {  	_ =	shalt  }
0x6e: {  	_ =	shalt  }
0x6f: {  	_ =	shalt  }
0x70: {  	_ =	shalt  }
0x71: {  	_ =	shalt  }
0x72: {  	_ =	shalt  }
0x73: {  	_ =	shalt  }
0x74: {  	_ =	shalt  }
0x75: {  	_ =	shalt  }
0x76: {  	_ =	shalt  }
0x77: {  	_ =	shalt  }
0x78: {  	_ =	shalt  }
0x79: {  	_ =	shalt  }
0x7a: {  	_ =	shalt  }
0x7b: {  	_ =	shalt  }
0x7c: {  	_ =	shalt  }
0x7d: {  	_ =	shalt  }
0x7e: {  	_ =	shalt  }
0x7f: {  	_ =	shalt  }
0x80: {  	_ =	shalt  }
0x81: {  	_ =	shalt  }
0x82: {  	_ =	shalt  }
0x83: {  	_ =	shalt  }
0x84: {  	_ =	shalt  }
0x85: {  	_ =	shalt  }
0x86: {  	_ =	shalt  }
0x87: {  	_ =	shalt  }
.Lfunc_end0:
.L_simem_size_0:
called_computation_lowered:
.L_overlay_start_0:
0x88: {  	s2 =	sld [smem:$0x3FD9]  }
0x89: {  	s3 =	sld [smem:$0x3FFE];
	_ =	sdelay $0x1  }
0x8a: {  	s1 =	srdreg.scid  }
0x8b: {  	s0 =	sand.u32 $0x1, s1  }
0x8c: {  	s14 =	sshll.u32 s0, $0xA;
	s2 =	sadd.s32 s3, s2  }
0x8d: {  	s2 =	sadd.s32 s2, s14  }
0x8e: {  	[smem:$0x3FC2] =	sst s2  }
0x8f: {  	_ = 	snop  }
0x90: {  	s2 =	sld [smem:$0x3FD0];
	_ =	sdelay $0x2  }
0x91: {  	s15 =	simm.s32 $0xA;
	s4 =	simm.s32 $0x10  }
0x92: {  	[smem:s4], [sflag:s15] =	dma.local [hbm:s2], $0x1  }
0x93: {  	_ =	swait.eq [sflag:s15], $0x1  }
0x94: {  	[sflag:s15] =	ssyncset.done $0x0  }
0x95: {  	[sflag:s15] =	ssyncadd.s32 $0xFFFFFFFF  }
0x96: {  	s16 =	sld [smem:$0x10];
	(tm) =	ssettm $0x1  }
0x97: {  	s17 =	sld [smem:$0x3FFB];
	_ =	sdelay $0x3  }
0x98: {  	_ =	strace s17  }
0x99: {  	s3 =	sld [smem:$0x3FFC];
	_ =	sdelay $0x3  }
0x9a: {  	_ =	strace s3  }
0x9b: {  	s3 =	sld [smem:$0x3FFD];
	_ =	sdelay $0x3  }
0x9c: {  	_ =	strace s3  }
0x9d: {  	_ =	strace $0x8FFFFFFF  }
0x9e: {  	s18 =	sld [smem:$0x3FDB];
	_ =	sdelay $0x1  }
0x9f: {  	s19 =	simm.s32 $_scs_section_size  }
0xa0: {  	s5 =	simm.s32 $_size__tile_overlayer_lowered;
	s6 =	simm.s32 $_tile_overlayer_lowered  }
0xa1: {  	s22 =	simm.s32 $0x1BFF;
	s21 =	sshll.u32 s6, $0x1;
	s3 =	sadd.s32 s19, s18  }
0xa2: {  	s7 =	simm.s32 $0x0;
	s20 =	sshll.u32 s5, $0x1;
	s5 =	sadd.s32 s21, s3  }
0xa3: {  	[timem:s7], [sflag:s22] =	dma.local [hbm:s5], s20  }
0xa4: {  	_ =	swait.ge [sflag:s22], s20  }
0xa5: {  	s4 =	ssub.s32 $0x0, s20;
	[sflag:s22] =	ssyncset.done $0x0  }
0xa6: {  	[sflag:s22] =	ssyncadd.s32 s4;
	_ =	sdelay $0x1  }
0xa7: {  	s23 =	simm.s32 $0x1B8B  }
0xa8: {  	_ =	swait.ge [sflag:s23], $0x1  }
0xa9: {  	[sflag:s23] =	ssyncset.done $0x0  }
0xaa: {  	s25 =	simm.s32 $0x1B8E;
	s24 =	sld [smem:$0x3FFE];
	[sflag:s23] =	ssyncadd.s32 $0xFFFFFFFF  }
0xab: {  	s26 =	simm.s32 $execute0_lowered;
	[smem:$0x3FD2] =	sst s25  }
0xac: {  	s5 =	sshll.u32 s26, $0x1;
	_ =	strace $0x80000046;
	[dreg:$0x1] =	wrdreg $0xFFFFFFFF  }
0xad: {  	s28 =	simm.s32 $_size_execute0_lowered;
	s3 =	sadd.s32 s3, s5;
	[dreg:$0x0] =	wrdreg $0x0  }
0xae: {  	s5 =	sshll.u32 s28, $0x1;
	[dreg:$0x2] =	wrdreg s3  }
0xaf: {  	[dreg:$0x3] =	wrdreg s5  }
0xb0: {  	[dreg:$0x4] =	wrdreg $0xC0  }
0xb1: {  	_ =	task [dreg:s7], $0x5FFFF  }
0xb2: {  	[dreg:$0x1] =	wrdreg $0xFFFFFFFF  }
0xb3: {  	[dreg:$0x0] =	wrdreg $0x60  }
0xb4: {  	[dreg:$0x2] =	wrdreg s16  }
0xb5: {  	[dreg:$0x3] =	wrdreg s24  }
0xb6: {  	[dreg:$0x4] =	wrdreg $0x9  }
0xb7: {  	_ =	task.clear_ibuf [dreg:s7], $0x5FFFF;
	_ =	strace $0x90000046  }
0xb8: {  	s29 =	simm.s32 $0x9;
	_ =	strace $0x80000048  }
0xb9: {  	_ =	swait.ge [sflag:s29], $0x1  }
0xba: {  	[sflag:s29] =	ssyncadd.s32 $0xFFFFFFFF  }
0xbb: {  	_ =	strace $0x90000048  }
0xbc: {  	_ =	sfence  }
0xbd: {  	s30 =	sld [smem:$0x0];
	_ =	sdelay $0x2  }
0xbe: {  	s31 =	sshll.u32 s1, $0xD;
	s1 =	sshrl.u32 s1, $0x2  }
0xbf: {  	s3 =	sand.u32 $0x4000, s31;
	s1 =	sadd.s32 s1, s30  }
0xc0: {  	s0 =	sor.u32 s3, s0;
	s1 =	sshll.u32 s1, $0x11  }
0xc1: {  	s0 =	sor.u32 s1, s0  }
0xc2: {  	s0 =	sadd.s32 $0x8F2B, s0  }
0xc3: {  	[sflag:s0] =	ssyncadd.remote.s32 $0x1  }
0xc4: {  	_ =	sfence.sel $0xFFFF  }
0xc5: {  	[dreg:$0x0] =	wrdreg $0xFFFFFFFF;
	(pc) =	sbr.abs _section_cstart, $3  }
0xc6: {  	[dreg:$0x1] =	wrdreg $0xFFFFFFFF  }
0xc7: {  	_ =	task.clear_ibuf [dreg:s7], $0x2FFFF;
	_ =	strace $0x9FFFFFFF  }
0xc8: {  	(tm) =	ssettm $0x7FFFFFFF  }
0xc9: {  	_ =	shalt  }
tec
execute0_lowered:
.L_overlay_start_1:
0x0: {  	(tag) =	ssettag $0x1  }
0x1: {  	s0 =	srdreg.scid  }
0x2: {  	s3 =	sand.u32 $0x1, s0;
	s0 =	stileid.u32  }
0x3: {  	s5 =	sshll.u32 s0, $0x1;
	s6 =	ssub.s32 $0x0, s3  }
0x4: {  	p0 =	sne.s32 s5, s6  }
.Ltmp0:
0x5: {  	_ = 	snop;
	(pc) =	sbr.rel @p0 .LBB2_5-.Ltmp0, $4  }
0x6: {  	_ = 	snop  }
0x7: {  	s2 =	rddreg [dreg:$0x0]  }
0x8: {  	s4 =	rddreg [dreg:$0x1]  }
0x9: {  	s1 =	rddreg [dreg:$0x2];
	_ =	strace $0x80000047  }
0xa: {  	s5 =	ssub.s32 $0x2, s3;
	s3 =	sadd.s32 $0x200800, s4  }
0xb: {  	s4 =	sadd.s32 $0x201800, s4;
	s7 =	simm.s32 $0x1;
	s6 =	sshrl.u32 s5, $0x1  }
0xc: {  	s8 =	simm.s32 $0x8000;
	s9 =	simm.s32 $0x10000;
	s5 =	ssub.s32 s5, s6  }
0xd: {  	v0 =	vimm.f32 $0.0e+00;
	v1 =	vimm.s32 $0x0;
	s10 =	simm.s32 $0x0;
	s6 =	simm.s32 $0x0;
	s5 =	smax.u32 s5, $0x1  }
.LBB2_2:
0xe: {  	[tilespmem:s6], [sflag:$0x1] =	stream.linear.gather [hbm4b:s2+s6], $0x8000, $0x38;
	[tilespmem:$0x18000] =	vst v63  }
0xf: {  	_ =	swait.ge [sflag:s7], $0x8000  }
0x10: {  	[sflag:s7] =	ssyncset.done $0x0  }
0x11: {  	s12 =	simm.s32 $0x0;
	[sflag:s7] =	ssyncadd.s32 $0xFFFF8000  }
0x12: {  	v2 =	vld [tilespmem:s12+$0x0];
	_ =	sdelay $0x4  }
0x13: {  	s11 =	simm.s32 $0x10;
	v4 =	vadd.f32 v2, v0  }
0x14: {  	v3 =	vld [tilespmem:s11+$0x0]  }
0x15: {  	vm0 =	vgt.f32 v4, $9.499999880e-01  }
0x16: {  	v2 =	vsel vm0, $0x1, v1;
	v5 =	vsel vm0, $0x3F800000, v0  }
0x17: {  	v2 =	vadd.s32 v2, v1;
	v4 =	vsub.f32 v4, v5  }
0x18: {  	s13 =	simm.s32 $0x80;
	[tilespmem:s12+$0x10000] =	vst v2  }
.LBB2_3:
0x19: {  	s14 =	sshra.s32 s13, $0x2;
	p0 =	sne.s32 s13, $0x1FFC0;
	s13 =	sadd.s32 $0x40, s13;
	v5 =	vadd.f32 v3, v4;
	[tilespmem:s12+$0x8000] =	vst v4  }
.Ltmp1:
0x1a: {  	s12 =	smov.u32 s11;
	v3 =	vld [tilespmem:s14+$0x0];
	s11 =	smov.u32 s14;
	(pc) =	sbr.rel @p0 .LBB2_3-.Ltmp1, $4  }
0x1b: {  	vm0 =	vgt.f32 v5, $9.499999880e-01  }
0x1c: {  	v4 =	vsel vm0, $0x3F800000, v0;
	v6 =	vsel vm0, $0x1, v1  }
0x1d: {  	v4 =	vsub.f32 v5, v4;
	v2 =	vadd.s32 v6, v2  }
0x1e: {  	[tilespmem:s12+$0x10000] =	vst v2  }
0x1f: {  	v3 =	vadd.f32 v3, v4;
	_ =	sdelay $0x1  }
0x20: {  	vm0 =	vgt.f32 v3, $9.499999880e-01  }
0x21: {  	v5 =	vsel vm0, $0x3F800000, v0;
	v6 =	vsel vm0, $0x1, v1  }
0x22: {  	[tilespmem:s12+$0x8000] =	vst v4;
	v3 =	vsub.f32 v3, v5;
	v2 =	vadd.s32 v6, v2  }
0x23: {  	[tilespmem:s11+$0x10000] =	vst v2  }
0x24: {  	[tilespmem:s11+$0x8000] =	vst v3  }
0x25: {  	[hbm4b:s3+s6] =	stream.linear.scatter [tilespmem:s8], [sflag:$0x1], $0x8000, $0x38;
	[tilespmem:$0x18000] =	vst v63  }
0x26: {  	s10 =	sadd.s32 $0x1, s10;
	_ =	swait.ge [sflag:s7], $0x8000  }
0x27: {  	p0 =	sne.s32 s10, s5;
	[sflag:s7] =	ssyncset.done $0x0  }
.Ltmp2:
0x28: {  	[sflag:s7] =	ssyncadd.s32 $0xFFFF8000;
	(pc) =	sbr.rel @p0 .LBB2_2-.Ltmp2, $4  }
0x29: {  	[hbm4b:s4+s6] =	stream.linear.scatter [tilespmem:s9], [sflag:$0x1], $0x8000, $0x38;
	[tilespmem:$0x18000] =	vst v63  }
0x2a: {  	_ =	swait.ge [sflag:s7], $0x8000  }
0x2b: {  	[sflag:s7] =	ssyncset.done $0x0  }
0x2c: {  	[sflag:s7] =	ssyncadd.s32 $0xFFFF8000  }
.LBB2_5:
0x2d: {  	_ =	sfence.sel $0x180000  }
0x2e: {  	[bflag:$0x0] =	sbarrier.arrive $0xFFFF  }
0x2f: {  	p0 =	sne.s32 s0, $0x0;
	_ =	strace $0x90000047  }
0x30: {  	s0 =	sadd.s32 @!p0 $0x100000, s1;
	[bflag:$0x2] =	sbarrier.arrive $0xFFFF  }
0x31: {  	[sflag:s0] =	ssyncadd.tile.s32 @!p0 $0x1;
	_ =	shalt  }
.Lfunc_end2:
_tile_overlayer_lowered:
.L_overlay_start_2:
0x32: {  	(tag) =	ssettag $0x2  }
0x33: {  	s0 =	rddreg [dreg:$0x0];
	s2 =	stileid.u32  }
0x34: {  	s1 =	rddreg [dreg:$0x1];
	p0 =	sne.s32 s2, $0x0  }
0x35: {  	s3 =	rddreg [dreg:$0x2];
	[bflag:$0x3] =	sbarrier.arrive $0xFFFF;
	s2 =	simm.s32 @!p0 $0x1C01  }
0x36: {  	[timem:s3], [sflag:s2] =	dma.local @!p0 [hbm:s0], s1  }
0x37: {  	s0 =	simm.s32 @!p0 $0x1  }
0x38: {  	_ =	swait.ge @!p0 [sflag:s0], s1  }
0x39: {  	s1 =	ssub.s32 @!p0 $0x0, s1;
	[sflag:s0] =	ssyncset.done @!p0 $0x0  }
0x3a: {  	[sflag:s0] =	ssyncadd.s32 @!p0 s1  }
0x3b: {  	[bflag:$0x3] =	sbarrier.arrive $0xFFFF  }
0x3c: {  	_ =	shalt  }

</sc_bundles>
